<compile_context>
chip_gen: v7x
topology: tpu7x:2x2x1
jax: 0.10.2.dev20260603
libtpu: 0.0.44.dev20260713+nightly
codegen_flags: <defaults>
</compile_context>

<pallas_src>
import functools

import jax
import jax.numpy as jnp
from jax import lax
from jax.experimental import pallas as pl
from jax.experimental.pallas import tpu as pltpu
from jax.experimental.pallas import tpu_sc as plsc

_EMB = 64
_EMBP = 128
_NW = 32
_CHUNK = 128
_NBUF = 5


@functools.partial(jax.jit, static_argnames=("n",))
def _sc_gather(idx, table2, n):
    nchunk_w = n // (_NW * _CHUNK)
    assert nchunk_w % _NBUF == 0 and nchunk_w >= 2 * _NBUF
    mesh = plsc.VectorSubcoreMesh(core_axis_name="c", subcore_axis_name="s")

    @functools.partial(
        pl.kernel,
        out_type=jax.ShapeDtypeStruct((n, _EMBP), jnp.float32),
        mesh=mesh,
        scratch_types=[
            pltpu.VMEM((nchunk_w, _CHUNK), jnp.int32),
            [pltpu.VMEM((_CHUNK, _EMB), jnp.float32)] * _NBUF,
            [pltpu.SemaphoreType.DMA] * _NBUF,
            [pltpu.SemaphoreType.DMA] * _NBUF,
        ],
        compiler_params=pltpu.CompilerParams(use_tc_tiling_on_sc=False),
    )
    def k(idx_hbm, table_hbm, out_hbm, idx_v, bufs, gs, ws):
        wid = lax.axis_index("s") * 2 + lax.axis_index("c")
        base = wid * (nchunk_w * _CHUNK)
        pltpu.sync_copy(idx_hbm.at[pl.ds(wid * nchunk_w, nchunk_w)], idx_v)

        def out_slice(j):
            return out_hbm.at[pl.ds(base + j * _CHUNK, _CHUNK), pl.ds(0, _EMB)]

        def issue_gather(j, b):
            pltpu.async_copy(table_hbm.at[idx_v.at[j]], bufs[b], gs[b])

        def wait_gather(b):
            pltpu.make_async_copy(table_hbm.at[pl.ds(0, _CHUNK)], bufs[b], gs[b]).wait()

        def issue_write(j, b):
            pltpu.async_copy(bufs[b], out_slice(j), ws[b])

        def wait_write(b):
            pltpu.make_async_copy(bufs[b], out_slice(0), ws[b]).wait()

        for b in range(_NBUF):
            issue_gather(b, b)

        @pl.loop(0, nchunk_w // _NBUF - 1)
        def _(kk):
            j0 = kk * _NBUF
            for b in range(_NBUF):
                wait_gather(b)
                issue_write(j0 + b, b)
                wait_write(b)
                issue_gather(j0 + _NBUF + b, b)

        j0 = nchunk_w - _NBUF
        for b in range(_NBUF):
            wait_gather(b)
            issue_write(j0 + b, b)
        for b in range(_NBUF):
            wait_write(b)

    return k(idx, table2)


def kernel(input, table):
    seq, batch = input.shape
    n = seq * batch
    idx = (input.astype(jnp.int32) * 2).reshape(n // _CHUNK, _CHUNK)
    table_p = jnp.pad(table.astype(jnp.float32), ((0, 0), (0, _EMBP - _EMB)))
    table2 = table_p.reshape(2 * table.shape[0], _EMB)
    out = _sc_gather(idx, table2, n)
    return out[:, :_EMB].reshape(seq, batch, _EMB)

# --- scband reference (transcript-rebuilt; emitter-appended) ---
"""Pipeline reference for scband-embeddings-53541062312419 (READ-ONLY COPY).

The authoritative reference and input builder live on the scoring server;
editing this copy changes nothing except your own understanding.
"""

import jax, jax.numpy as jnp
import numpy as np

VOCAB = 100000
EMB = 64
PAD = 0
SEQ = 200
BATCH = 1024

def setup_inputs(seed: int = 0) -> dict:
    key = jax.random.key(seed)
    k1, k2 = jax.random.split(key)
    inp = jax.random.randint(k1, (SEQ, BATCH), 0, VOCAB)
    table = jax.random.normal(k2, (VOCAB, EMB), dtype=jnp.float32)
    # nn.Embedding with padding_idx initializes/keeps the pad row at zero
    table = table.at[PAD].set(0.0)
    return {"input": inp, "table": table}

def reference(input, table):
    # Word lookup: [len, batch] -> [len, batch, emb]
    emb = jnp.take(table, input, axis=0)
    # Enforce padding_idx semantics: pad positions are exactly zero
    mask = (input != PAD)[..., None].astype(emb.dtype)
    return emb * mask

if __name__ == "__main__":
    import jax
    _d = setup_inputs()
    print(jax.jit(kernel)(*tuple(_d.values())))

</pallas_src>

<mosaic_0001>
#map = affine_map<(d0, d1) -> (0, 0)>
module attributes {stable_mosaic.version = 14 : i64} {
  func.func @k(%arg0: i32, %arg1: i32, %arg2: memref<1600x128xi32, #tpu.memory_space<hbm>>, %arg3: memref<200000x64xf32, #tpu.memory_space<hbm>>, %arg4: memref<204800x128xf32, #tpu.memory_space<hbm>>, %arg5: memref<50x128xi32, #tpu.memory_space<vmem>>, %arg6: memref<128x64xf32, #tpu.memory_space<vmem>>, %arg7: memref<128x64xf32, #tpu.memory_space<vmem>>, %arg8: memref<128x64xf32, #tpu.memory_space<vmem>>, %arg9: memref<128x64xf32, #tpu.memory_space<vmem>>, %arg10: memref<128x64xf32, #tpu.memory_space<vmem>>, %arg11: memref<!tpu.dma_semaphore, #tpu.memory_space<semaphore_mem>>, %arg12: memref<!tpu.dma_semaphore, #tpu.memory_space<semaphore_mem>>, %arg13: memref<!tpu.dma_semaphore, #tpu.memory_space<semaphore_mem>>, %arg14: memref<!tpu.dma_semaphore, #tpu.memory_space<semaphore_mem>>, %arg15: memref<!tpu.dma_semaphore, #tpu.memory_space<semaphore_mem>>, %arg16: memref<!tpu.dma_semaphore, #tpu.memory_space<semaphore_mem>>, %arg17: memref<!tpu.dma_semaphore, #tpu.memory_space<semaphore_mem>>, %arg18: memref<!tpu.dma_semaphore, #tpu.memory_space<semaphore_mem>>, %arg19: memref<!tpu.dma_semaphore, #tpu.memory_space<semaphore_mem>>, %arg20: memref<!tpu.dma_semaphore, #tpu.memory_space<semaphore_mem>>) attributes {dimension_semantics = [#tpu.dimension_semantics<core_parallel>, #tpu.dimension_semantics<subcore_parallel>], iteration_bounds = array<i64: 2, 16>, scalar_prefetch = 0 : i64, scratch_operands = 16 : i64, tpu.core_type = #tpu.core_type<sc_vector_subcore>, window_params = [{transform_indices = #map}, {transform_indices = #map}, {transform_indices = #map}]} {
    %mul3A = arith.constant 2 : i32
    %mul3A_0 = arith.muli %arg1, %mul3A : i32
    %add3A = arith.addi %mul3A_0, %arg0 : i32
    %mul3A_1 = arith.constant 6400 : i32
    %mul3A_2 = arith.muli %add3A, %mul3A_1 : i32
    %mul3A_3 = arith.constant 50 : i32
    %mul3A_4 = arith.muli %add3A, %mul3A_3 : i32
    "tpu.region"() ({
      %run_scoped3A = tpu.sem_alloc : memref<!tpu.dma_semaphore, #tpu.memory_space<semaphore_mem>>
      %dma_start3A_132 = arith.constant 0 : i32
      %dma_start3A_133 = tpu.memref_slice %arg2[%mul3A_4, %dma_start3A_132] : memref<1600x128xi32, #tpu.memory_space<hbm>> -> memref<50x128xi32, #tpu.memory_space<hbm>>
      %dma_start3A_134 = arith.constant 0 : i32
      %dma_start3A_135 = tpu.memref_slice %arg2[%mul3A_4, %dma_start3A_134] : memref<1600x128xi32, #tpu.memory_space<hbm>> -> memref<50x128xi32, #tpu.memory_space<hbm>>
      tpu.enqueue_dma source(%dma_start3A_135 : memref<50x128xi32, #tpu.memory_space<hbm>>) target(%arg5 : memref<50x128xi32, #tpu.memory_space<vmem>>) target_semaphore(%run_scoped3A : memref<!tpu.dma_semaphore, #tpu.memory_space<semaphore_mem>>)
      %dma_wait3A_136 = arith.constant 0 : i32
      %dma_wait3A_137 = tpu.memref_slice %arg2[%mul3A_4, %dma_wait3A_136] : memref<1600x128xi32, #tpu.memory_space<hbm>> -> memref<50x128xi32, #tpu.memory_space<hbm>>
      %dma_wait3A_138 = arith.constant 0 : i32
      %dma_wait3A_139 = tpu.memref_slice %arg2[%mul3A_4, %dma_wait3A_138] : memref<1600x128xi32, #tpu.memory_space<hbm>> -> memref<50x128xi32, #tpu.memory_space<hbm>>
      tpu.wait_dma2 semaphore(%run_scoped3A : memref<!tpu.dma_semaphore, #tpu.memory_space<semaphore_mem>>) src(%dma_wait3A_139 : memref<50x128xi32, #tpu.memory_space<hbm>>) dst(%arg5 : memref<50x128xi32, #tpu.memory_space<vmem>>)
      tpu.yield
    }) : () -> ()
    %dma_start3A = arith.constant 0 : i32
    %dma_start3A_5 = arith.constant 0 : i32
    %dma_start3A_6 = tpu.memref_slice %arg5[%dma_start3A, %dma_start3A_5] : memref<50x128xi32, #tpu.memory_space<vmem>> -> memref<1x128xi32, #tpu.memory_space<vmem>>
    %dma_start3A_7 = tpu.memref_squeeze %dma_start3A_6 : memref<1x128xi32, #tpu.memory_space<vmem>> -> memref<128xi32, #tpu.memory_space<vmem>>
    %dma_start3A_8 = arith.constant 0 : i32
    %dma_start3A_9 = arith.constant 0 : i32
    %dma_start3A_10 = tpu.memref_slice %arg3[%dma_start3A_8, %dma_start3A_9] : memref<200000x64xf32, #tpu.memory_space<hbm>> -> memref<200000x64xf32, #tpu.memory_space<hbm>>
    tpu.enqueue_indirect_dma source(%dma_start3A_10 : memref<200000x64xf32, #tpu.memory_space<hbm>>) target(%arg6 : memref<128x64xf32, #tpu.memory_space<vmem>>) offsets(%dma_start3A_7 : memref<128xi32, #tpu.memory_space<vmem>>) semaphore(%arg11 : memref<!tpu.dma_semaphore, #tpu.memory_space<semaphore_mem>>)
    %dma_start3A_11 = arith.constant 1 : i32
    %dma_start3A_12 = arith.constant 0 : i32
    %dma_start3A_13 = tpu.memref_slice %arg5[%dma_start3A_11, %dma_start3A_12] : memref<50x128xi32, #tpu.memory_space<vmem>> -> memref<1x128xi32, #tpu.memory_space<vmem>>
    %dma_start3A_14 = tpu.memref_squeeze %dma_start3A_13 : memref<1x128xi32, #tpu.memory_space<vmem>> -> memref<128xi32, #tpu.memory_space<vmem>>
    %dma_start3A_15 = arith.constant 0 : i32
    %dma_start3A_16 = arith.constant 0 : i32
    %dma_start3A_17 = tpu.memref_slice %arg3[%dma_start3A_15, %dma_start3A_16] : memref<200000x64xf32, #tpu.memory_space<hbm>> -> memref<200000x64xf32, #tpu.memory_space<hbm>>
    tpu.enqueue_indirect_dma source(%dma_start3A_17 : memref<200000x64xf32, #tpu.memory_space<hbm>>) target(%arg7 : memref<128x64xf32, #tpu.memory_space<vmem>>) offsets(%dma_start3A_14 : memref<128xi32, #tpu.memory_space<vmem>>) semaphore(%arg12 : memref<!tpu.dma_semaphore, #tpu.memory_space<semaphore_mem>>)
    %dma_start3A_18 = arith.constant 2 : i32
    %dma_start3A_19 = arith.constant 0 : i32
    %dma_start3A_20 = tpu.memref_slice %arg5[%dma_start3A_18, %dma_start3A_19] : memref<50x128xi32, #tpu.memory_space<vmem>> -> memref<1x128xi32, #tpu.memory_space<vmem>>
    %dma_start3A_21 = tpu.memref_squeeze %dma_start3A_20 : memref<1x128xi32, #tpu.memory_space<vmem>> -> memref<128xi32, #tpu.memory_space<vmem>>
    %dma_start3A_22 = arith.constant 0 : i32
    %dma_start3A_23 = arith.constant 0 : i32
    %dma_start3A_24 = tpu.memref_slice %arg3[%dma_start3A_22, %dma_start3A_23] : memref<200000x64xf32, #tpu.memory_space<hbm>> -> memref<200000x64xf32, #tpu.memory_space<hbm>>
    tpu.enqueue_indirect_dma source(%dma_start3A_24 : memref<200000x64xf32, #tpu.memory_space<hbm>>) target(%arg8 : memref<128x64xf32, #tpu.memory_space<vmem>>) offsets(%dma_start3A_21 : memref<128xi32, #tpu.memory_space<vmem>>) semaphore(%arg13 : memref<!tpu.dma_semaphore, #tpu.memory_space<semaphore_mem>>)
    %dma_start3A_25 = arith.constant 3 : i32
    %dma_start3A_26 = arith.constant 0 : i32
    %dma_start3A_27 = tpu.memref_slice %arg5[%dma_start3A_25, %dma_start3A_26] : memref<50x128xi32, #tpu.memory_space<vmem>> -> memref<1x128xi32, #tpu.memory_space<vmem>>
    %dma_start3A_28 = tpu.memref_squeeze %dma_start3A_27 : memref<1x128xi32, #tpu.memory_space<vmem>> -> memref<128xi32, #tpu.memory_space<vmem>>
    %dma_start3A_29 = arith.constant 0 : i32
    %dma_start3A_30 = arith.constant 0 : i32
    %dma_start3A_31 = tpu.memref_slice %arg3[%dma_start3A_29, %dma_start3A_30] : memref<200000x64xf32, #tpu.memory_space<hbm>> -> memref<200000x64xf32, #tpu.memory_space<hbm>>
    tpu.enqueue_indirect_dma source(%dma_start3A_31 : memref<200000x64xf32, #tpu.memory_space<hbm>>) target(%arg9 : memref<128x64xf32, #tpu.memory_space<vmem>>) offsets(%dma_start3A_28 : memref<128xi32, #tpu.memory_space<vmem>>) semaphore(%arg14 : memref<!tpu.dma_semaphore, #tpu.memory_space<semaphore_mem>>)
    %dma_start3A_32 = arith.constant 4 : i32
    %dma_start3A_33 = arith.constant 0 : i32
    %dma_start3A_34 = tpu.memref_slice %arg5[%dma_start3A_32, %dma_start3A_33] : memref<50x128xi32, #tpu.memory_space<vmem>> -> memref<1x128xi32, #tpu.memory_space<vmem>>
    %dma_start3A_35 = tpu.memref_squeeze %dma_start3A_34 : memref<1x128xi32, #tpu.memory_space<vmem>> -> memref<128xi32, #tpu.memory_space<vmem>>
    %dma_start3A_36 = arith.constant 0 : i32
    %dma_start3A_37 = arith.constant 0 : i32
    %dma_start3A_38 = tpu.memref_slice %arg3[%dma_start3A_36, %dma_start3A_37] : memref<200000x64xf32, #tpu.memory_space<hbm>> -> memref<200000x64xf32, #tpu.memory_space<hbm>>
    tpu.enqueue_indirect_dma source(%dma_start3A_38 : memref<200000x64xf32, #tpu.memory_space<hbm>>) target(%arg10 : memref<128x64xf32, #tpu.memory_space<vmem>>) offsets(%dma_start3A_35 : memref<128xi32, #tpu.memory_space<vmem>>) semaphore(%arg15 : memref<!tpu.dma_semaphore, #tpu.memory_space<semaphore_mem>>)
    %scan3A = arith.constant 0 : i32
    %scan3A_39 = arith.constant 9 : i32
    %scan3A_40 = arith.addi %scan3A, %scan3A_39 : i32
    %scan3A_41 = arith.constant 1 : i32
    scf.for %scan3A_132 = %scan3A to %scan3A_40 step %scan3A_41  : i32 {
      %mul3A_133 = arith.constant 1 : i32
      %mul3A_134 = arith.muli %scan3A_132, %mul3A_133 : i32
      %add3A_135 = arith.constant 0 : i32
      %add3A_136 = arith.addi %add3A_135, %mul3A_134 : i32
      %mul3A_137 = arith.constant 5 : i32
      %mul3A_138 = arith.muli %add3A_136, %mul3A_137 : i32
      %dma_wait3A_139 = arith.constant 0 : i32
      %dma_wait3A_140 = arith.constant 0 : i32
      %dma_wait3A_141 = tpu.memref_slice %arg3[%dma_wait3A_139, %dma_wait3A_140] : memref<200000x64xf32, #tpu.memory_space<hbm>> -> memref<128x64xf32, #tpu.memory_space<hbm>>
      %dma_wait3A_142 = arith.constant 0 : i32
      %dma_wait3A_143 = arith.constant 0 : i32
      %dma_wait3A_144 = tpu.memref_slice %arg3[%dma_wait3A_142, %dma_wait3A_143] : memref<200000x64xf32, #tpu.memory_space<hbm>> -> memref<128x64xf32, #tpu.memory_space<hbm>>
      tpu.wait_dma2 semaphore(%arg11 : memref<!tpu.dma_semaphore, #tpu.memory_space<semaphore_mem>>) src(%dma_wait3A_144 : memref<128x64xf32, #tpu.memory_space<hbm>>) dst(%arg6 : memref<128x64xf32, #tpu.memory_space<vmem>>)
      %add3A_145 = arith.constant 0 : i32
      %add3A_146 = arith.addi %mul3A_138, %add3A_145 : i32
      %mul3A_147 = arith.constant 128 : i32
      %mul3A_148 = arith.muli %add3A_146, %mul3A_147 : i32
      %add3A_149 = arith.addi %mul3A_2, %mul3A_148 : i32
      %dma_start3A_150 = arith.constant 0 : i32
      %dma_start3A_151 = tpu.memref_slice %arg4[%add3A_149, %dma_start3A_150] : memref<204800x128xf32, #tpu.memory_space<hbm>> -> memref<128x64xf32, #tpu.memory_space<hbm>>
      %dma_start3A_152 = arith.constant 0 : i32
      %dma_start3A_153 = tpu.memref_slice %arg4[%add3A_149, %dma_start3A_152] : memref<204800x128xf32, #tpu.memory_space<hbm>> -> memref<128x64xf32, #tpu.memory_space<hbm>>
      tpu.enqueue_dma source(%arg6 : memref<128x64xf32, #tpu.memory_space<vmem>>) target(%dma_start3A_153 : memref<128x64xf32, #tpu.memory_space<hbm>>) target_semaphore(%arg16 : memref<!tpu.dma_semaphore, #tpu.memory_space<semaphore_mem>>)
      %add3A_154 = arith.constant 0 : i32
      %add3A_155 = arith.addi %mul3A_2, %add3A_154 : i32
      %dma_wait3A_156 = arith.constant 0 : i32
      %dma_wait3A_157 = tpu.memref_slice %arg4[%add3A_155, %dma_wait3A_156] : memref<204800x128xf32, #tpu.memory_space<hbm>> -> memref<128x64xf32, #tpu.memory_space<hbm>>
      %dma_wait3A_158 = arith.constant 0 : i32
      %dma_wait3A_159 = tpu.memref_slice %arg4[%add3A_155, %dma_wait3A_158] : memref<204800x128xf32, #tpu.memory_space<hbm>> -> memref<128x64xf32, #tpu.memory_space<hbm>>
      tpu.wait_dma2 semaphore(%arg16 : memref<!tpu.dma_semaphore, #tpu.memory_space<semaphore_mem>>) src(%arg6 : memref<128x64xf32, #tpu.memory_space<vmem>>) dst(%dma_wait3A_159 : memref<128x64xf32, #tpu.memory_space<hbm>>)
      %add3A_160 = arith.constant 5 : i32
      %add3A_161 = arith.addi %mul3A_138, %add3A_160 : i32
      %add3A_162 = arith.constant 0 : i32
      %add3A_163 = arith.addi %add3A_161, %add3A_162 : i32
      %dma_start3A_164 = arith.constant 0 : i32
      %dma_start3A_165 = tpu.memref_slice %arg5[%add3A_163, %dma_start3A_164] : memref<50x128xi32, #tpu.memory_space<vmem>> -> memref<1x128xi32, #tpu.memory_space<vmem>>
      %dma_start3A_166 = tpu.memref_squeeze %dma_start3A_165 : memref<1x128xi32, #tpu.memory_space<vmem>> -> memref<128xi32, #tpu.memory_space<vmem>>
      %dma_start3A_167 = arith.constant 0 : i32
      %dma_start3A_168 = arith.constant 0 : i32
      %dma_start3A_169 = tpu.memref_slice %arg3[%dma_start3A_167, %dma_start3A_168] : memref<200000x64xf32, #tpu.memory_space<hbm>> -> memref<200000x64xf32, #tpu.memory_space<hbm>>
      tpu.enqueue_indirect_dma source(%dma_start3A_169 : memref<200000x64xf32, #tpu.memory_space<hbm>>) target(%arg6 : memref<128x64xf32, #tpu.memory_space<vmem>>) offsets(%dma_start3A_166 : memref<128xi32, #tpu.memory_space<vmem>>) semaphore(%arg11 : memref<!tpu.dma_semaphore, #tpu.memory_space<semaphore_mem>>)
      %dma_wait3A_170 = arith.constant 0 : i32
      %dma_wait3A_171 = arith.constant 0 : i32
      %dma_wait3A_172 = tpu.memref_slice %arg3[%dma_wait3A_170, %dma_wait3A_171] : memref<200000x64xf32, #tpu.memory_space<hbm>> -> memref<128x64xf32, #tpu.memory_space<hbm>>
      %dma_wait3A_173 = arith.constant 0 : i32
      %dma_wait3A_174 = arith.constant 0 : i32
      %dma_wait3A_175 = tpu.memref_slice %arg3[%dma_wait3A_173, %dma_wait3A_174] : memref<200000x64xf32, #tpu.memory_space<hbm>> -> memref<128x64xf32, #tpu.memory_space<hbm>>
      tpu.wait_dma2 semaphore(%arg12 : memref<!tpu.dma_semaphore, #tpu.memory_space<semaphore_mem>>) src(%dma_wait3A_175 : memref<128x64xf32, #tpu.memory_space<hbm>>) dst(%arg7 : memref<128x64xf32, #tpu.memory_space<vmem>>)
      %add3A_176 = arith.constant 1 : i32
      %add3A_177 = arith.addi %mul3A_138, %add3A_176 : i32
      %mul3A_178 = arith.constant 128 : i32
      %mul3A_179 = arith.muli %add3A_177, %mul3A_178 : i32
      %add3A_180 = arith.addi %mul3A_2, %mul3A_179 : i32
      %dma_start3A_181 = arith.constant 0 : i32
      %dma_start3A_182 = tpu.memref_slice %arg4[%add3A_180, %dma_start3A_181] : memref<204800x128xf32, #tpu.memory_space<hbm>> -> memref<128x64xf32, #tpu.memory_space<hbm>>
      %dma_start3A_183 = arith.constant 0 : i32
      %dma_start3A_184 = tpu.memref_slice %arg4[%add3A_180, %dma_start3A_183] : memref<204800x128xf32, #tpu.memory_space<hbm>> -> memref<128x64xf32, #tpu.memory_space<hbm>>
      tpu.enqueue_dma source(%arg7 : memref<128x64xf32, #tpu.memory_space<vmem>>) target(%dma_start3A_184 : memref<128x64xf32, #tpu.memory_space<hbm>>) target_semaphore(%arg17 : memref<!tpu.dma_semaphore, #tpu.memory_space<semaphore_mem>>)
      %add3A_185 = arith.constant 0 : i32
      %add3A_186 = arith.addi %mul3A_2, %add3A_185 : i32
      %dma_wait3A_187 = arith.constant 0 : i32
      %dma_wait3A_188 = tpu.memref_slice %arg4[%add3A_186, %dma_wait3A_187] : memref<204800x128xf32, #tpu.memory_space<hbm>> -> memref<128x64xf32, #tpu.memory_space<hbm>>
      %dma_wait3A_189 = arith.constant 0 : i32
      %dma_wait3A_190 = tpu.memref_slice %arg4[%add3A_186, %dma_wait3A_189] : memref<204800x128xf32, #tpu.memory_space<hbm>> -> memref<128x64xf32, #tpu.memory_space<hbm>>
      tpu.wait_dma2 semaphore(%arg17 : memref<!tpu.dma_semaphore, #tpu.memory_space<semaphore_mem>>) src(%arg7 : memref<128x64xf32, #tpu.memory_space<vmem>>) dst(%dma_wait3A_190 : memref<128x64xf32, #tpu.memory_space<hbm>>)
      %add3A_191 = arith.constant 5 : i32
      %add3A_192 = arith.addi %mul3A_138, %add3A_191 : i32
      %add3A_193 = arith.constant 1 : i32
      %add3A_194 = arith.addi %add3A_192, %add3A_193 : i32
      %dma_start3A_195 = arith.constant 0 : i32
      %dma_start3A_196 = tpu.memref_slice %arg5[%add3A_194, %dma_start3A_195] : memref<50x128xi32, #tpu.memory_space<vmem>> -> memref<1x128xi32, #tpu.memory_space<vmem>>
      %dma_start3A_197 = tpu.memref_squeeze %dma_start3A_196 : memref<1x128xi32, #tpu.memory_space<vmem>> -> memref<128xi32, #tpu.memory_space<vmem>>
      %dma_start3A_198 = arith.constant 0 : i32
      %dma_start3A_199 = arith.constant 0 : i32
      %dma_start3A_200 = tpu.memref_slice %arg3[%dma_start3A_198, %dma_start3A_199] : memref<200000x64xf32, #tpu.memory_space<hbm>> -> memref<200000x64xf32, #tpu.memory_space<hbm>>
      tpu.enqueue_indirect_dma source(%dma_start3A_200 : memref<200000x64xf32, #tpu.memory_space<hbm>>) target(%arg7 : memref<128x64xf32, #tpu.memory_space<vmem>>) offsets(%dma_start3A_197 : memref<128xi32, #tpu.memory_space<vmem>>) semaphore(%arg12 : memref<!tpu.dma_semaphore, #tpu.memory_space<semaphore_mem>>)
      %dma_wait3A_201 = arith.constant 0 : i32
      %dma_wait3A_202 = arith.constant 0 : i32
      %dma_wait3A_203 = tpu.memref_slice %arg3[%dma_wait3A_201, %dma_wait3A_202] : memref<200000x64xf32, #tpu.memory_space<hbm>> -> memref<128x64xf32, #tpu.memory_space<hbm>>
      %dma_wait3A_204 = arith.constant 0 : i32
      %dma_wait3A_205 = arith.constant 0 : i32
      %dma_wait3A_206 = tpu.memref_slice %arg3[%dma_wait3A_204, %dma_wait3A_205] : memref<200000x64xf32, #tpu.memory_space<hbm>> -> memref<128x64xf32, #tpu.memory_space<hbm>>
      tpu.wait_dma2 semaphore(%arg13 : memref<!tpu.dma_semaphore, #tpu.memory_space<semaphore_mem>>) src(%dma_wait3A_206 : memref<128x64xf32, #tpu.memory_space<hbm>>) dst(%arg8 : memref<128x64xf32, #tpu.memory_space<vmem>>)
      %add3A_207 = arith.constant 2 : i32
      %add3A_208 = arith.addi %mul3A_138, %add3A_207 : i32
      %mul3A_209 = arith.constant 128 : i32
      %mul3A_210 = arith.muli %add3A_208, %mul3A_209 : i32
      %add3A_211 = arith.addi %mul3A_2, %mul3A_210 : i32
      %dma_start3A_212 = arith.constant 0 : i32
      %dma_start3A_213 = tpu.memref_slice %arg4[%add3A_211, %dma_start3A_212] : memref<204800x128xf32, #tpu.memory_space<hbm>> -> memref<128x64xf32, #tpu.memory_space<hbm>>
      %dma_start3A_214 = arith.constant 0 : i32
      %dma_start3A_215 = tpu.memref_slice %arg4[%add3A_211, %dma_start3A_214] : memref<204800x128xf32, #tpu.memory_space<hbm>> -> memref<128x64xf32, #tpu.memory_space<hbm>>
      tpu.enqueue_dma source(%arg8 : memref<128x64xf32, #tpu.memory_space<vmem>>) target(%dma_start3A_215 : memref<128x64xf32, #tpu.memory_space<hbm>>) target_semaphore(%arg18 : memref<!tpu.dma_semaphore, #tpu.memory_space<semaphore_mem>>)
      %add3A_216 = arith.constant 0 : i32
      %add3A_217 = arith.addi %mul3A_2, %add3A_216 : i32
      %dma_wait3A_218 = arith.constant 0 : i32
      %dma_wait3A_219 = tpu.memref_slice %arg4[%add3A_217, %dma_wait3A_218] : memref<204800x128xf32, #tpu.memory_space<hbm>> -> memref<128x64xf32, #tpu.memory_space<hbm>>
      %dma_wait3A_220 = arith.constant 0 : i32
      %dma_wait3A_221 = tpu.memref_slice %arg4[%add3A_217, %dma_wait3A_220] : memref<204800x128xf32, #tpu.memory_space<hbm>> -> memref<128x64xf32, #tpu.memory_space<hbm>>
      tpu.wait_dma2 semaphore(%arg18 : memref<!tpu.dma_semaphore, #tpu.memory_space<semaphore_mem>>) src(%arg8 : memref<128x64xf32, #tpu.memory_space<vmem>>) dst(%dma_wait3A_221 : memref<128x64xf32, #tpu.memory_space<hbm>>)
      %add3A_222 = arith.constant 5 : i32
      %add3A_223 = arith.addi %mul3A_138, %add3A_222 : i32
      %add3A_224 = arith.constant 2 : i32
      %add3A_225 = arith.addi %add3A_223, %add3A_224 : i32
      %dma_start3A_226 = arith.constant 0 : i32
      %dma_start3A_227 = tpu.memref_slice %arg5[%add3A_225, %dma_start3A_226] : memref<50x128xi32, #tpu.memory_space<vmem>> -> memref<1x128xi32, #tpu.memory_space<vmem>>
      %dma_start3A_228 = tpu.memref_squeeze %dma_start3A_227 : memref<1x128xi32, #tpu.memory_space<vmem>> -> memref<128xi32, #tpu.memory_space<vmem>>
      %dma_start3A_229 = arith.constant 0 : i32
      %dma_start3A_230 = arith.constant 0 : i32
      %dma_start3A_231 = tpu.memref_slice %arg3[%dma_start3A_229, %dma_start3A_230] : memref<200000x64xf32, #tpu.memory_space<hbm>> -> memref<200000x64xf32, #tpu.memory_space<hbm>>
      tpu.enqueue_indirect_dma source(%dma_start3A_231 : memref<200000x64xf32, #tpu.memory_space<hbm>>) target(%arg8 : memref<128x64xf32, #tpu.memory_space<vmem>>) offsets(%dma_start3A_228 : memref<128xi32, #tpu.memory_space<vmem>>) semaphore(%arg13 : memref<!tpu.dma_semaphore, #tpu.memory_space<semaphore_mem>>)
      %dma_wait3A_232 = arith.constant 0 : i32
      %dma_wait3A_233 = arith.constant 0 : i32
      %dma_wait3A_234 = tpu.memref_slice %arg3[%dma_wait3A_232, %dma_wait3A_233] : memref<200000x64xf32, #tpu.memory_space<hbm>> -> memref<128x64xf32, #tpu.memory_space<hbm>>
      %dma_wait3A_235 = arith.constant 0 : i32
      %dma_wait3A_236 = arith.constant 0 : i32
      %dma_wait3A_237 = tpu.memref_slice %arg3[%dma_wait3A_235, %dma_wait3A_236] : memref<200000x64xf32, #tpu.memory_space<hbm>> -> memref<128x64xf32, #tpu.memory_space<hbm>>
      tpu.wait_dma2 semaphore(%arg14 : memref<!tpu.dma_semaphore, #tpu.memory_space<semaphore_mem>>) src(%dma_wait3A_237 : memref<128x64xf32, #tpu.memory_space<hbm>>) dst(%arg9 : memref<128x64xf32, #tpu.memory_space<vmem>>)
      %add3A_238 = arith.constant 3 : i32
      %add3A_239 = arith.addi %mul3A_138, %add3A_238 : i32
      %mul3A_240 = arith.constant 128 : i32
      %mul3A_241 = arith.muli %add3A_239, %mul3A_240 : i32
      %add3A_242 = arith.addi %mul3A_2, %mul3A_241 : i32
      %dma_start3A_243 = arith.constant 0 : i32
      %dma_start3A_244 = tpu.memref_slice %arg4[%add3A_242, %dma_start3A_243] : memref<204800x128xf32, #tpu.memory_space<hbm>> -> memref<128x64xf32, #tpu.memory_space<hbm>>
      %dma_start3A_245 = arith.constant 0 : i32
      %dma_start3A_246 = tpu.memref_slice %arg4[%add3A_242, %dma_start3A_245] : memref<204800x128xf32, #tpu.memory_space<hbm>> -> memref<128x64xf32, #tpu.memory_space<hbm>>
      tpu.enqueue_dma source(%arg9 : memref<128x64xf32, #tpu.memory_space<vmem>>) target(%dma_start3A_246 : memref<128x64xf32, #tpu.memory_space<hbm>>) target_semaphore(%arg19 : memref<!tpu.dma_semaphore, #tpu.memory_space<semaphore_mem>>)
      %add3A_247 = arith.constant 0 : i32
      %add3A_248 = arith.addi %mul3A_2, %add3A_247 : i32
      %dma_wait3A_249 = arith.constant 0 : i32
      %dma_wait3A_250 = tpu.memref_slice %arg4[%add3A_248, %dma_wait3A_249] : memref<204800x128xf32, #tpu.memory_space<hbm>> -> memref<128x64xf32, #tpu.memory_space<hbm>>
      %dma_wait3A_251 = arith.constant 0 : i32
      %dma_wait3A_252 = tpu.memref_slice %arg4[%add3A_248, %dma_wait3A_251] : memref<204800x128xf32, #tpu.memory_space<hbm>> -> memref<128x64xf32, #tpu.memory_space<hbm>>
      tpu.wait_dma2 semaphore(%arg19 : memref<!tpu.dma_semaphore, #tpu.memory_space<semaphore_mem>>) src(%arg9 : memref<128x64xf32, #tpu.memory_space<vmem>>) dst(%dma_wait3A_252 : memref<128x64xf32, #tpu.memory_space<hbm>>)
      %add3A_253 = arith.constant 5 : i32
      %add3A_254 = arith.addi %mul3A_138, %add3A_253 : i32
      %add3A_255 = arith.constant 3 : i32
      %add3A_256 = arith.addi %add3A_254, %add3A_255 : i32
      %dma_start3A_257 = arith.constant 0 : i32
      %dma_start3A_258 = tpu.memref_slice %arg5[%add3A_256, %dma_start3A_257] : memref<50x128xi32, #tpu.memory_space<vmem>> -> memref<1x128xi32, #tpu.memory_space<vmem>>
      %dma_start3A_259 = tpu.memref_squeeze %dma_start3A_258 : memref<1x128xi32, #tpu.memory_space<vmem>> -> memref<128xi32, #tpu.memory_space<vmem>>
      %dma_start3A_260 = arith.constant 0 : i32
      %dma_start3A_261 = arith.constant 0 : i32
      %dma_start3A_262 = tpu.memref_slice %arg3[%dma_start3A_260, %dma_start3A_261] : memref<200000x64xf32, #tpu.memory_space<hbm>> -> memref<200000x64xf32, #tpu.memory_space<hbm>>
      tpu.enqueue_indirect_dma source(%dma_start3A_262 : memref<200000x64xf32, #tpu.memory_space<hbm>>) target(%arg9 : memref<128x64xf32, #tpu.memory_space<vmem>>) offsets(%dma_start3A_259 : memref<128xi32, #tpu.memory_space<vmem>>) semaphore(%arg14 : memref<!tpu.dma_semaphore, #tpu.memory_space<semaphore_mem>>)
      %dma_wait3A_263 = arith.constant 0 : i32
      %dma_wait3A_264 = arith.constant 0 : i32
      %dma_wait3A_265 = tpu.memref_slice %arg3[%dma_wait3A_263, %dma_wait3A_264] : memref<200000x64xf32, #tpu.memory_space<hbm>> -> memref<128x64xf32, #tpu.memory_space<hbm>>
      %dma_wait3A_266 = arith.constant 0 : i32
      %dma_wait3A_267 = arith.constant 0 : i32
      %dma_wait3A_268 = tpu.memref_slice %arg3[%dma_wait3A_266, %dma_wait3A_267] : memref<200000x64xf32, #tpu.memory_space<hbm>> -> memref<128x64xf32, #tpu.memory_space<hbm>>
      tpu.wait_dma2 semaphore(%arg15 : memref<!tpu.dma_semaphore, #tpu.memory_space<semaphore_mem>>) src(%dma_wait3A_268 : memref<128x64xf32, #tpu.memory_space<hbm>>) dst(%arg10 : memref<128x64xf32, #tpu.memory_space<vmem>>)
      %add3A_269 = arith.constant 4 : i32
      %add3A_270 = arith.addi %mul3A_138, %add3A_269 : i32
      %mul3A_271 = arith.constant 128 : i32
      %mul3A_272 = arith.muli %add3A_270, %mul3A_271 : i32
      %add3A_273 = arith.addi %mul3A_2, %mul3A_272 : i32
      %dma_start3A_274 = arith.constant 0 : i32
      %dma_start3A_275 = tpu.memref_slice %arg4[%add3A_273, %dma_start3A_274] : memref<204800x128xf32, #tpu.memory_space<hbm>> -> memref<128x64xf32, #tpu.memory_space<hbm>>
      %dma_start3A_276 = arith.constant 0 : i32
      %dma_start3A_277 = tpu.memref_slice %arg4[%add3A_273, %dma_start3A_276] : memref<204800x128xf32, #tpu.memory_space<hbm>> -> memref<128x64xf32, #tpu.memory_space<hbm>>
      tpu.enqueue_dma source(%arg10 : memref<128x64xf32, #tpu.memory_space<vmem>>) target(%dma_start3A_277 : memref<128x64xf32, #tpu.memory_space<hbm>>) target_semaphore(%arg20 : memref<!tpu.dma_semaphore, #tpu.memory_space<semaphore_mem>>)
      %add3A_278 = arith.constant 0 : i32
      %add3A_279 = arith.addi %mul3A_2, %add3A_278 : i32
      %dma_wait3A_280 = arith.constant 0 : i32
      %dma_wait3A_281 = tpu.memref_slice %arg4[%add3A_279, %dma_wait3A_280] : memref<204800x128xf32, #tpu.memory_space<hbm>> -> memref<128x64xf32, #tpu.memory_space<hbm>>
      %dma_wait3A_282 = arith.constant 0 : i32
      %dma_wait3A_283 = tpu.memref_slice %arg4[%add3A_279, %dma_wait3A_282] : memref<204800x128xf32, #tpu.memory_space<hbm>> -> memref<128x64xf32, #tpu.memory_space<hbm>>
      tpu.wait_dma2 semaphore(%arg20 : memref<!tpu.dma_semaphore, #tpu.memory_space<semaphore_mem>>) src(%arg10 : memref<128x64xf32, #tpu.memory_space<vmem>>) dst(%dma_wait3A_283 : memref<128x64xf32, #tpu.memory_space<hbm>>)
      %add3A_284 = arith.constant 5 : i32
      %add3A_285 = arith.addi %mul3A_138, %add3A_284 : i32
      %add3A_286 = arith.constant 4 : i32
      %add3A_287 = arith.addi %add3A_285, %add3A_286 : i32
      %dma_start3A_288 = arith.constant 0 : i32
      %dma_start3A_289 = tpu.memref_slice %arg5[%add3A_287, %dma_start3A_288] : memref<50x128xi32, #tpu.memory_space<vmem>> -> memref<1x128xi32, #tpu.memory_space<vmem>>
      %dma_start3A_290 = tpu.memref_squeeze %dma_start3A_289 : memref<1x128xi32, #tpu.memory_space<vmem>> -> memref<128xi32, #tpu.memory_space<vmem>>
      %dma_start3A_291 = arith.constant 0 : i32
      %dma_start3A_292 = arith.constant 0 : i32
      %dma_start3A_293 = tpu.memref_slice %arg3[%dma_start3A_291, %dma_start3A_292] : memref<200000x64xf32, #tpu.memory_space<hbm>> -> memref<200000x64xf32, #tpu.memory_space<hbm>>
      tpu.enqueue_indirect_dma source(%dma_start3A_293 : memref<200000x64xf32, #tpu.memory_space<hbm>>) target(%arg10 : memref<128x64xf32, #tpu.memory_space<vmem>>) offsets(%dma_start3A_290 : memref<128xi32, #tpu.memory_space<vmem>>) semaphore(%arg15 : memref<!tpu.dma_semaphore, #tpu.memory_space<semaphore_mem>>)
    }
    %scan3A_42 = arith.constant 9 : i32
    %dma_wait3A = arith.constant 0 : i32
    %dma_wait3A_43 = arith.constant 0 : i32
    %dma_wait3A_44 = tpu.memref_slice %arg3[%dma_wait3A, %dma_wait3A_43] : memref<200000x64xf32, #tpu.memory_space<hbm>> -> memref<128x64xf32, #tpu.memory_space<hbm>>
    %dma_wait3A_45 = arith.constant 0 : i32
    %dma_wait3A_46 = arith.constant 0 : i32
    %dma_wait3A_47 = tpu.memref_slice %arg3[%dma_wait3A_45, %dma_wait3A_46] : memref<200000x64xf32, #tpu.memory_space<hbm>> -> memref<128x64xf32, #tpu.memory_space<hbm>>
    tpu.wait_dma2 semaphore(%arg11 : memref<!tpu.dma_semaphore, #tpu.memory_space<semaphore_mem>>) src(%dma_wait3A_47 : memref<128x64xf32, #tpu.memory_space<hbm>>) dst(%arg6 : memref<128x64xf32, #tpu.memory_space<vmem>>)
    %add3A_48 = arith.constant 5760 : i32
    %add3A_49 = arith.addi %mul3A_2, %add3A_48 : i32
    %dma_start3A_50 = arith.constant 0 : i32
    %dma_start3A_51 = tpu.memref_slice %arg4[%add3A_49, %dma_start3A_50] : memref<204800x128xf32, #tpu.memory_space<hbm>> -> memref<128x64xf32, #tpu.memory_space<hbm>>
    %dma_start3A_52 = arith.constant 0 : i32
    %dma_start3A_53 = tpu.memref_slice %arg4[%add3A_49, %dma_start3A_52] : memref<204800x128xf32, #tpu.memory_space<hbm>> -> memref<128x64xf32, #tpu.memory_space<hbm>>
    tpu.enqueue_dma source(%arg6 : memref<128x64xf32, #tpu.memory_space<vmem>>) target(%dma_start3A_53 : memref<128x64xf32, #tpu.memory_space<hbm>>) target_semaphore(%arg16 : memref<!tpu.dma_semaphore, #tpu.memory_space<semaphore_mem>>)
    %dma_wait3A_54 = arith.constant 0 : i32
    %dma_wait3A_55 = arith.constant 0 : i32
    %dma_wait3A_56 = tpu.memref_slice %arg3[%dma_wait3A_54, %dma_wait3A_55] : memref<200000x64xf32, #tpu.memory_space<hbm>> -> memref<128x64xf32, #tpu.memory_space<hbm>>
    %dma_wait3A_57 = arith.constant 0 : i32
    %dma_wait3A_58 = arith.constant 0 : i32
    %dma_wait3A_59 = tpu.memref_slice %arg3[%dma_wait3A_57, %dma_wait3A_58] : memref<200000x64xf32, #tpu.memory_space<hbm>> -> memref<128x64xf32, #tpu.memory_space<hbm>>
    tpu.wait_dma2 semaphore(%arg12 : memref<!tpu.dma_semaphore, #tpu.memory_space<semaphore_mem>>) src(%dma_wait3A_59 : memref<128x64xf32, #tpu.memory_space<hbm>>) dst(%arg7 : memref<128x64xf32, #tpu.memory_space<vmem>>)
    %add3A_60 = arith.constant 5888 : i32
    %add3A_61 = arith.addi %mul3A_2, %add3A_60 : i32
    %dma_start3A_62 = arith.constant 0 : i32
    %dma_start3A_63 = tpu.memref_slice %arg4[%add3A_61, %dma_start3A_62] : memref<204800x128xf32, #tpu.memory_space<hbm>> -> memref<128x64xf32, #tpu.memory_space<hbm>>
    %dma_start3A_64 = arith.constant 0 : i32
    %dma_start3A_65 = tpu.memref_slice %arg4[%add3A_61, %dma_start3A_64] : memref<204800x128xf32, #tpu.memory_space<hbm>> -> memref<128x64xf32, #tpu.memory_space<hbm>>
    tpu.enqueue_dma source(%arg7 : memref<128x64xf32, #tpu.memory_space<vmem>>) target(%dma_start3A_65 : memref<128x64xf32, #tpu.memory_space<hbm>>) target_semaphore(%arg17 : memref<!tpu.dma_semaphore, #tpu.memory_space<semaphore_mem>>)
    %dma_wait3A_66 = arith.constant 0 : i32
    %dma_wait3A_67 = arith.constant 0 : i32
    %dma_wait3A_68 = tpu.memref_slice %arg3[%dma_wait3A_66, %dma_wait3A_67] : memref<200000x64xf32, #tpu.memory_space<hbm>> -> memref<128x64xf32, #tpu.memory_space<hbm>>
    %dma_wait3A_69 = arith.constant 0 : i32
    %dma_wait3A_70 = arith.constant 0 : i32
    %dma_wait3A_71 = tpu.memref_slice %arg3[%dma_wait3A_69, %dma_wait3A_70] : memref<200000x64xf32, #tpu.memory_space<hbm>> -> memref<128x64xf32, #tpu.memory_space<hbm>>
    tpu.wait_dma2 semaphore(%arg13 : memref<!tpu.dma_semaphore, #tpu.memory_space<semaphore_mem>>) src(%dma_wait3A_71 : memref<128x64xf32, #tpu.memory_space<hbm>>) dst(%arg8 : memref<128x64xf32, #tpu.memory_space<vmem>>)
    %add3A_72 = arith.constant 6016 : i32
    %add3A_73 = arith.addi %mul3A_2, %add3A_72 : i32
    %dma_start3A_74 = arith.constant 0 : i32
    %dma_start3A_75 = tpu.memref_slice %arg4[%add3A_73, %dma_start3A_74] : memref<204800x128xf32, #tpu.memory_space<hbm>> -> memref<128x64xf32, #tpu.memory_space<hbm>>
    %dma_start3A_76 = arith.constant 0 : i32
    %dma_start3A_77 = tpu.memref_slice %arg4[%add3A_73, %dma_start3A_76] : memref<204800x128xf32, #tpu.memory_space<hbm>> -> memref<128x64xf32, #tpu.memory_space<hbm>>
    tpu.enqueue_dma source(%arg8 : memref<128x64xf32, #tpu.memory_space<vmem>>) target(%dma_start3A_77 : memref<128x64xf32, #tpu.memory_space<hbm>>) target_semaphore(%arg18 : memref<!tpu.dma_semaphore, #tpu.memory_space<semaphore_mem>>)
    %dma_wait3A_78 = arith.constant 0 : i32
    %dma_wait3A_79 = arith.constant 0 : i32
    %dma_wait3A_80 = tpu.memref_slice %arg3[%dma_wait3A_78, %dma_wait3A_79] : memref<200000x64xf32, #tpu.memory_space<hbm>> -> memref<128x64xf32, #tpu.memory_space<hbm>>
    %dma_wait3A_81 = arith.constant 0 : i32
    %dma_wait3A_82 = arith.constant 0 : i32
    %dma_wait3A_83 = tpu.memref_slice %arg3[%dma_wait3A_81, %dma_wait3A_82] : memref<200000x64xf32, #tpu.memory_space<hbm>> -> memref<128x64xf32, #tpu.memory_space<hbm>>
    tpu.wait_dma2 semaphore(%arg14 : memref<!tpu.dma_semaphore, #tpu.memory_space<semaphore_mem>>) src(%dma_wait3A_83 : memref<128x64xf32, #tpu.memory_space<hbm>>) dst(%arg9 : memref<128x64xf32, #tpu.memory_space<vmem>>)
    %add3A_84 = arith.constant 6144 : i32
    %add3A_85 = arith.addi %mul3A_2, %add3A_84 : i32
    %dma_start3A_86 = arith.constant 0 : i32
    %dma_start3A_87 = tpu.memref_slice %arg4[%add3A_85, %dma_start3A_86] : memref<204800x128xf32, #tpu.memory_space<hbm>> -> memref<128x64xf32, #tpu.memory_space<hbm>>
    %dma_start3A_88 = arith.constant 0 : i32
    %dma_start3A_89 = tpu.memref_slice %arg4[%add3A_85, %dma_start3A_88] : memref<204800x128xf32, #tpu.memory_space<hbm>> -> memref<128x64xf32, #tpu.memory_space<hbm>>
    tpu.enqueue_dma source(%arg9 : memref<128x64xf32, #tpu.memory_space<vmem>>) target(%dma_start3A_89 : memref<128x64xf32, #tpu.memory_space<hbm>>) target_semaphore(%arg19 : memref<!tpu.dma_semaphore, #tpu.memory_space<semaphore_mem>>)
    %dma_wait3A_90 = arith.constant 0 : i32
    %dma_wait3A_91 = arith.constant 0 : i32
    %dma_wait3A_92 = tpu.memref_slice %arg3[%dma_wait3A_90, %dma_wait3A_91] : memref<200000x64xf32, #tpu.memory_space<hbm>> -> memref<128x64xf32, #tpu.memory_space<hbm>>
    %dma_wait3A_93 = arith.constant 0 : i32
    %dma_wait3A_94 = arith.constant 0 : i32
    %dma_wait3A_95 = tpu.memref_slice %arg3[%dma_wait3A_93, %dma_wait3A_94] : memref<200000x64xf32, #tpu.memory_space<hbm>> -> memref<128x64xf32, #tpu.memory_space<hbm>>
    tpu.wait_dma2 semaphore(%arg15 : memref<!tpu.dma_semaphore, #tpu.memory_space<semaphore_mem>>) src(%dma_wait3A_95 : memref<128x64xf32, #tpu.memory_space<hbm>>) dst(%arg10 : memref<128x64xf32, #tpu.memory_space<vmem>>)
    %add3A_96 = arith.constant 6272 : i32
    %add3A_97 = arith.addi %mul3A_2, %add3A_96 : i32
    %dma_start3A_98 = arith.constant 0 : i32
    %dma_start3A_99 = tpu.memref_slice %arg4[%add3A_97, %dma_start3A_98] : memref<204800x128xf32, #tpu.memory_space<hbm>> -> memref<128x64xf32, #tpu.memory_space<hbm>>
    %dma_start3A_100 = arith.constant 0 : i32
    %dma_start3A_101 = tpu.memref_slice %arg4[%add3A_97, %dma_start3A_100] : memref<204800x128xf32, #tpu.memory_space<hbm>> -> memref<128x64xf32, #tpu.memory_space<hbm>>
    tpu.enqueue_dma source(%arg10 : memref<128x64xf32, #tpu.memory_space<vmem>>) target(%dma_start3A_101 : memref<128x64xf32, #tpu.memory_space<hbm>>) target_semaphore(%arg20 : memref<!tpu.dma_semaphore, #tpu.memory_space<semaphore_mem>>)
    %add3A_102 = arith.constant 0 : i32
    %add3A_103 = arith.addi %mul3A_2, %add3A_102 : i32
    %dma_wait3A_104 = arith.constant 0 : i32
    %dma_wait3A_105 = tpu.memref_slice %arg4[%add3A_103, %dma_wait3A_104] : memref<204800x128xf32, #tpu.memory_space<hbm>> -> memref<128x64xf32, #tpu.memory_space<hbm>>
    %dma_wait3A_106 = arith.constant 0 : i32
    %dma_wait3A_107 = tpu.memref_slice %arg4[%add3A_103, %dma_wait3A_106] : memref<204800x128xf32, #tpu.memory_space<hbm>> -> memref<128x64xf32, #tpu.memory_space<hbm>>
    tpu.wait_dma2 semaphore(%arg16 : memref<!tpu.dma_semaphore, #tpu.memory_space<semaphore_mem>>) src(%arg6 : memref<128x64xf32, #tpu.memory_space<vmem>>) dst(%dma_wait3A_107 : memref<128x64xf32, #tpu.memory_space<hbm>>)
    %add3A_108 = arith.constant 0 : i32
    %add3A_109 = arith.addi %mul3A_2, %add3A_108 : i32
    %dma_wait3A_110 = arith.constant 0 : i32
    %dma_wait3A_111 = tpu.memref_slice %arg4[%add3A_109, %dma_wait3A_110] : memref<204800x128xf32, #tpu.memory_space<hbm>> -> memref<128x64xf32, #tpu.memory_space<hbm>>
    %dma_wait3A_112 = arith.constant 0 : i32
    %dma_wait3A_113 = tpu.memref_slice %arg4[%add3A_109, %dma_wait3A_112] : memref<204800x128xf32, #tpu.memory_space<hbm>> -> memref<128x64xf32, #tpu.memory_space<hbm>>
    tpu.wait_dma2 semaphore(%arg17 : memref<!tpu.dma_semaphore, #tpu.memory_space<semaphore_mem>>) src(%arg7 : memref<128x64xf32, #tpu.memory_space<vmem>>) dst(%dma_wait3A_113 : memref<128x64xf32, #tpu.memory_space<hbm>>)
    %add3A_114 = arith.constant 0 : i32
    %add3A_115 = arith.addi %mul3A_2, %add3A_114 : i32
    %dma_wait3A_116 = arith.constant 0 : i32
    %dma_wait3A_117 = tpu.memref_slice %arg4[%add3A_115, %dma_wait3A_116] : memref<204800x128xf32, #tpu.memory_space<hbm>> -> memref<128x64xf32, #tpu.memory_space<hbm>>
    %dma_wait3A_118 = arith.constant 0 : i32
    %dma_wait3A_119 = tpu.memref_slice %arg4[%add3A_115, %dma_wait3A_118] : memref<204800x128xf32, #tpu.memory_space<hbm>> -> memref<128x64xf32, #tpu.memory_space<hbm>>
    tpu.wait_dma2 semaphore(%arg18 : memref<!tpu.dma_semaphore, #tpu.memory_space<semaphore_mem>>) src(%arg8 : memref<128x64xf32, #tpu.memory_space<vmem>>) dst(%dma_wait3A_119 : memref<128x64xf32, #tpu.memory_space<hbm>>)
    %add3A_120 = arith.constant 0 : i32
    %add3A_121 = arith.addi %mul3A_2, %add3A_120 : i32
    %dma_wait3A_122 = arith.constant 0 : i32
    %dma_wait3A_123 = tpu.memref_slice %arg4[%add3A_121, %dma_wait3A_122] : memref<204800x128xf32, #tpu.memory_space<hbm>> -> memref<128x64xf32, #tpu.memory_space<hbm>>
    %dma_wait3A_124 = arith.constant 0 : i32
    %dma_wait3A_125 = tpu.memref_slice %arg4[%add3A_121, %dma_wait3A_124] : memref<204800x128xf32, #tpu.memory_space<hbm>> -> memref<128x64xf32, #tpu.memory_space<hbm>>
    tpu.wait_dma2 semaphore(%arg19 : memref<!tpu.dma_semaphore, #tpu.memory_space<semaphore_mem>>) src(%arg9 : memref<128x64xf32, #tpu.memory_space<vmem>>) dst(%dma_wait3A_125 : memref<128x64xf32, #tpu.memory_space<hbm>>)
    %add3A_126 = arith.constant 0 : i32
    %add3A_127 = arith.addi %mul3A_2, %add3A_126 : i32
    %dma_wait3A_128 = arith.constant 0 : i32
    %dma_wait3A_129 = tpu.memref_slice %arg4[%add3A_127, %dma_wait3A_128] : memref<204800x128xf32, #tpu.memory_space<hbm>> -> memref<128x64xf32, #tpu.memory_space<hbm>>
    %dma_wait3A_130 = arith.constant 0 : i32
    %dma_wait3A_131 = tpu.memref_slice %arg4[%add3A_127, %dma_wait3A_130] : memref<204800x128xf32, #tpu.memory_space<hbm>> -> memref<128x64xf32, #tpu.memory_space<hbm>>
    tpu.wait_dma2 semaphore(%arg20 : memref<!tpu.dma_semaphore, #tpu.memory_space<semaphore_mem>>) src(%arg10 : memref<128x64xf32, #tpu.memory_space<vmem>>) dst(%dma_wait3A_131 : memref<128x64xf32, #tpu.memory_space<hbm>>)
    return
  }
}

</mosaic_0001>

<sc_bundles>
// kernel: _sc_gather.3.cloned.1.call-start
scs
__scs_entry_jumppad:
0x0: {  	(pc) =	sbr.rel $0x88, $3  }
0x1: {  	(tag) =	ssettag $0x0;
	lr =	simm.s32 $0x1  }
0x2: {  	[smem:$0x3F9F] =	sst lr;
	_ =	strace $0xD0000000  }
0x3: {  	_ = 	snop  }
0x4: {  	_ = 	snop  }
0x5: {  	_ = 	snop  }
0x6: {  	_ = 	snop  }
0x7: {  	_ = 	snop  }
__scs_overlays_trampoline_lowered:
0x8: {  	[smem:$0x3FAE] =	sst s0  }
0x9: {  	[smem:$0x3FAF] =	sst s1  }
0xa: {  	[smem:$0x3FB0] =	sst s2  }
0xb: {  	[smem:$0x3FB1] =	sst s3  }
0xc: {  	[smem:$0x3FB2] =	sst s4  }
0xd: {  	[smem:$0x3FB3] =	sst s5  }
0xe: {  	[smem:$0x3FB4] =	sst s6  }
0xf: {  	[smem:$0x3FB5] =	sst s7  }
0x10: {  	[smem:$0x3FB6] =	sst s8  }
0x11: {  	[smem:$0x3FB7] =	sst s9;
	s0 =	simm.s32 @!p0 $0x0  }
0x12: {  	s1 =	sld [smem:$0x3F9D];
	s0 =	simm.s32 @p0 $0x1  }
0x13: {  	[smem:$0x3FB8] =	sst s0;
	s0 =	simm.s32 @!p1 $0x0  }
0x14: {  	s2 =	sld [smem:$0x3F9C];
	s0 =	simm.s32 @p1 $0x1  }
0x15: {  	[smem:$0x3FB9] =	sst s0;
	s0 =	simm.s32 @!p2 $0x0  }
0x16: {  	s3 =	sld [smem:$0x3FDB];
	s0 =	simm.s32 @p2 $0x1  }
0x17: {  	s4 =	simm.s32 $0x1BF5;
	[smem:$0x3FBB] =	sst s0  }
0x18: {  	s0 =	sld [smem:$0x3F9E];
	_ =	swait.ge [sflag:s4], $0x0  }
0x19: {  	s7 =	sld [smem:$0x3F9F]  }
0x1a: {  	s8 =	sadd.s32 $0xFFFFE003, lr  }
0x1b: {  	s9 =	sadd.s32 $0xFFFFFEF7, lr;
	s5 =	simm.s32 $0xFFFFFFFF;
	p2 =	slt.u32 s8, $0xFFFFF086  }
0x1c: {  	p1 =	slt.u32 s9, $0xF7A;
	s5 =	simm.s32 @!p2 $0x0  }
0x1d: {  	s5 =	simm.s32 @p1 $0x1;
	p0 =	seq.s32 s7, s2  }
0x1e: {  	s7 =	smul.u32 @!p0 $0xF7A, s2;
	p2 =	seq.s32 @!p0 s5, $0x0  }
0x1f: {  	s9 =	smul.u32 $0xF7A, s1;
	s8 =	simm.s32 @!p0 $0x1BF5;
	p2 =	por !p2, p0  }
0x20: {  	[sflag:s8] =	ssyncset.s32 @!p0 $0xFFFFF086;
	s6 =	sadd.s32 @!p0 s3, s7;
	s7 =	simm.s32 @!p0 $0x108  }
0x21: {  	s3 =	sadd.s32 s3, s9;
	s6 =	sadd.s32 @!p0 $0x88, s6;
	s7 =	simm.s32 @p2 $0x1082  }
0x22: {  	[simem:s7], [sflag:s8] =	dma.local @!p0 [hbm:s6], $0xF7A  }
0x23: {  	s9 =	sor.u32 $0xD0000000, s2;
	s6 =	simm.s32 $0x108;
	_ =	swait.ge @!p0 [sflag:s8], $0x0  }
0x24: {  	s3 =	sadd.s32 $0x88, s3;
	s6 =	simm.s32 @!p1 $0x1082;
	[sflag:s4] =	ssyncset.s32 $0xFFFFF086  }
0x25: {  	[simem:s6], [sflag:s4] =	dma.local [hbm:s3], $0xF7A  }
0x26: {  	[smem:$0x3F9F] =	sst s1;
	(tag) =	ssettag s2;
	_ =	strace s9  }
0x27: {  	s1 =	sld [smem:$0x3FAF]  }
0x28: {  	s2 =	sld [smem:$0x3FB0]  }
0x29: {  	s4 =	sld [smem:$0x3FB2]  }
0x2a: {  	p0 =	seq.s32 s5, $0x0;
	s5 =	sld [smem:$0x3FB3]  }
0x2b: {  	s6 =	sld [smem:$0x3FB4]  }
0x2c: {  	s7 =	sld [smem:$0x3FB5]  }
0x2d: {  	s3 =	simm.s32 $0x108;
	s8 =	sld [smem:$0x3FB6]  }
0x2e: {  	s3 =	simm.s32 @!p0 $0x1082;
	s9 =	sld [smem:$0x3FB7]  }
0x2f: {  	lr =	sadd.s32 s0, s3;
	s0 =	sld [smem:$0x3FAE]  }
0x30: {  	s3 =	sld [smem:$0x3FB1]  }
0x31: {  	[smem:$0x3FBA] =	sst s10  }
0x32: {  	s10 =	sld [smem:$0x3FB8];
	_ =	sdelay $0x3  }
0x33: {  	p0 =	seq.s32 s10, $0x1;
	s10 =	sld [smem:$0x3FBA];
	_ =	sdelay $0x3  }
0x34: {  	[smem:$0x3FBA] =	sst s10  }
0x35: {  	s10 =	sld [smem:$0x3FB9];
	_ =	sdelay $0x3  }
0x36: {  	p1 =	seq.s32 s10, $0x1;
	s10 =	sld [smem:$0x3FBA];
	_ =	sdelay $0x3  }
0x37: {  	[smem:$0x3FBA] =	sst s10  }
0x38: {  	s10 =	sld [smem:$0x3FBB]  }
0x39: {  	_ = 	snop;
	(pc) =	sbr.ind lr, $3  }
0x3a: {  	_ = 	snop  }
0x3b: {  	_ = 	snop  }
0x3c: {  	p2 =	seq.s32 s10, $0x1;
	s10 =	sld [smem:$0x3FBA]  }
0x3d: {  	_ =	shalt  }
0x3e: {  	_ =	shalt  }
0x3f: {  	_ =	shalt  }
0x40: {  	_ =	shalt  }
0x41: {  	_ =	shalt  }
0x42: {  	_ =	shalt  }
0x43: {  	_ =	shalt  }
0x44: {  	_ =	shalt  }
0x45: {  	_ =	shalt  }
0x46: {  	_ =	shalt  }
0x47: {  	_ =	shalt  }
0x48: {  	_ =	shalt  }
0x49: {  	_ =	shalt  }
0x4a: {  	_ =	shalt  }
0x4b: {  	_ =	shalt  }
0x4c: {  	_ =	shalt  }
0x4d: {  	_ =	shalt  }
0x4e: {  	_ =	shalt  }
0x4f: {  	_ =	shalt  }
0x50: {  	_ =	shalt  }
0x51: {  	_ =	shalt  }
0x52: {  	_ =	shalt  }
0x53: {  	_ =	shalt  }
0x54: {  	_ =	shalt  }
0x55: {  	_ =	shalt  }
0x56: {  	_ =	shalt  }
0x57: {  	_ =	shalt  }
0x58: {  	_ =	shalt  }
0x59: {  	_ =	shalt  }
0x5a: {  	_ =	shalt  }
0x5b: {  	_ =	shalt  }
0x5c: {  	_ =	shalt  }
0x5d: {  	_ =	shalt  }
0x5e: {  	_ =	shalt  }
0x5f: {  	_ =	shalt  }
0x60: {  	_ =	shalt  }
0x61: {  	_ =	shalt  }
0x62: {  	_ =	shalt  }
0x63: {  	_ =	shalt  }
0x64: {  	_ =	shalt  }
0x65: {  	_ =	shalt  }
0x66: {  	_ =	shalt  }
0x67: {  	_ =	shalt  }
0x68: {  	_ =	shalt  }
0x69: {  	_ =	shalt  }
0x6a: {  	_ =	shalt  }
0x6b: {  	_ =	shalt  }
0x6c: {  	_ =	shalt  }
0x6d: {  	_ =	shalt  }
0x6e: {  	_ =	shalt  }
0x6f: {  	_ =	shalt  }
0x70: {  	_ =	shalt  }
0x71: {  	_ =	shalt  }
0x72: {  	_ =	shalt  }
0x73: {  	_ =	shalt  }
0x74: {  	_ =	shalt  }
0x75: {  	_ =	shalt  }
0x76: {  	_ =	shalt  }
0x77: {  	_ =	shalt  }
0x78: {  	_ =	shalt  }
0x79: {  	_ =	shalt  }
0x7a: {  	_ =	shalt  }
0x7b: {  	_ =	shalt  }
0x7c: {  	_ =	shalt  }
0x7d: {  	_ =	shalt  }
0x7e: {  	_ =	shalt  }
0x7f: {  	_ =	shalt  }
0x80: {  	_ =	shalt  }
0x81: {  	_ =	shalt  }
0x82: {  	_ =	shalt  }
0x83: {  	_ =	shalt  }
0x84: {  	_ =	shalt  }
0x85: {  	_ =	shalt  }
0x86: {  	_ =	shalt  }
0x87: {  	_ =	shalt  }
.Lfunc_end0:
.L_simem_size_0:
called_computation_lowered:
.L_overlay_start_0:
0x88: {  	s2 =	sld [smem:$0x3FD9]  }
0x89: {  	s3 =	sld [smem:$0x3FFE];
	_ =	sdelay $0x1  }
0x8a: {  	s1 =	srdreg.scid  }
0x8b: {  	s0 =	sand.u32 $0x1, s1  }
0x8c: {  	s17 =	sshll.u32 s0, $0xA;
	s2 =	sadd.s32 s3, s2  }
0x8d: {  	s2 =	sadd.s32 s2, s17  }
0x8e: {  	[smem:$0x3FC6] =	sst s2  }
0x8f: {  	_ = 	snop  }
0x90: {  	s2 =	sld [smem:$0x3FC9]  }
0x91: {  	s18 =	sld [smem:$0x3FD0];
	(tm) =	ssettm $0x1  }
0x92: {  	s4 =	sld [smem:$0x3FFB];
	_ =	sdelay $0x3  }
0x93: {  	_ =	strace s4  }
0x94: {  	s4 =	sld [smem:$0x3FFC];
	_ =	sdelay $0x3  }
0x95: {  	_ =	strace s4  }
0x96: {  	s4 =	sld [smem:$0x3FFD];
	_ =	sdelay $0x3  }
0x97: {  	_ =	strace s4  }
0x98: {  	_ =	strace $0x8FFFFFFF  }
0x99: {  	s19 =	sld [smem:$0x3FDB];
	_ =	sdelay $0x1  }
0x9a: {  	s5 =	simm.s32 $_scs_section_size  }
0x9b: {  	s6 =	simm.s32 $_size__tile_overlayer_lowered;
	s7 =	simm.s32 $_tile_overlayer_lowered  }
0x9c: {  	s22 =	simm.s32 $0x1BFF;
	s21 =	sshll.u32 s7, $0x1;
	s4 =	sadd.s32 s5, s19  }
0x9d: {  	s8 =	simm.s32 $0x0;
	s20 =	sshll.u32 s6, $0x1;
	s6 =	sadd.s32 s21, s4  }
0x9e: {  	[timem:s8], [sflag:s22] =	dma.local [hbm:s6], s20  }
0x9f: {  	_ =	swait.ge [sflag:s22], s20  }
0xa0: {  	s5 =	ssub.s32 $0x0, s20;
	[sflag:s22] =	ssyncset.done $0x0  }
0xa1: {  	[sflag:s22] =	ssyncadd.s32 s5;
	_ =	sdelay $0x1  }
0xa2: {  	s23 =	simm.s32 $0x1B8B  }
0xa3: {  	_ =	swait.ge [sflag:s23], $0x1  }
0xa4: {  	[sflag:s23] =	ssyncset.done $0x0  }
0xa5: {  	s25 =	simm.s32 $0x1B8E;
	s24 =	sld [smem:$0x3FFE];
	[sflag:s23] =	ssyncadd.s32 $0xFFFFFFFF  }
0xa6: {  	s26 =	simm.s32 $execute0_lowered;
	[smem:$0x3FD2] =	sst s25  }
0xa7: {  	s6 =	sshll.u32 s26, $0x1;
	_ =	strace $0x80000046;
	[dreg:$0x1] =	wrdreg $0xFFFFFFFF  }
0xa8: {  	s28 =	simm.s32 $_size_execute0_lowered;
	s4 =	sadd.s32 s4, s6;
	[dreg:$0x0] =	wrdreg $0x0  }
0xa9: {  	s6 =	sshll.u32 s28, $0x1;
	[dreg:$0x2] =	wrdreg s4  }
0xaa: {  	[dreg:$0x3] =	wrdreg s6  }
0xab: {  	[dreg:$0x4] =	wrdreg $0xC0  }
0xac: {  	_ =	task [dreg:s8], $0x5FFFF  }
0xad: {  	[dreg:$0x1] =	wrdreg $0xFFFFFFFF  }
0xae: {  	[dreg:$0x0] =	wrdreg $0x60  }
0xaf: {  	[dreg:$0x2] =	wrdreg s2  }
0xb0: {  	[dreg:$0x3] =	wrdreg s24  }
0xb1: {  	[dreg:$0x4] =	wrdreg s18  }
0xb2: {  	[dreg:$0x5] =	wrdreg $0x9  }
0xb3: {  	_ =	task.clear_ibuf [dreg:s8], $0x6FFFF;
	_ =	strace $0x90000046  }
0xb4: {  	s29 =	simm.s32 $0x9;
	_ =	strace $0x80000048  }
0xb5: {  	_ =	swait.ge [sflag:s29], $0x1  }
0xb6: {  	[sflag:s29] =	ssyncadd.s32 $0xFFFFFFFF  }
0xb7: {  	_ =	strace $0x90000048  }
0xb8: {  	_ =	sfence  }
0xb9: {  	s30 =	sld [smem:$0x0];
	_ =	sdelay $0x2  }
0xba: {  	s31 =	sshll.u32 s1, $0xD;
	s1 =	sshrl.u32 s1, $0x2  }
0xbb: {  	s3 =	sand.u32 $0x4000, s31;
	s1 =	sadd.s32 s1, s30  }
0xbc: {  	s0 =	sor.u32 s3, s0;
	s1 =	sshll.u32 s1, $0x11  }
0xbd: {  	s0 =	sor.u32 s1, s0  }
0xbe: {  	s0 =	sadd.s32 $0x8F2B, s0  }
0xbf: {  	[sflag:s0] =	ssyncadd.remote.s32 $0x1  }
0xc0: {  	_ =	sfence.sel $0xFFFF  }
0xc1: {  	[dreg:$0x0] =	wrdreg $0xFFFFFFFF;
	(pc) =	sbr.abs _section_cstart, $3  }
0xc2: {  	[dreg:$0x1] =	wrdreg $0xFFFFFFFF  }
0xc3: {  	_ =	task.clear_ibuf [dreg:s8], $0x2FFFF;
	_ =	strace $0x9FFFFFFF  }
0xc4: {  	(tm) =	ssettm $0x7FFFFFFF  }
0xc5: {  	_ =	shalt  }
tec
execute0_lowered:
.L_overlay_start_1:
0x0: {  	(tag) =	ssettag $0x1  }
0x1: {  	s0 =	rddreg [dreg:$0x0]  }
0x2: {  	s1 =	rddreg [dreg:$0x1];
	s2 =	srdreg.scid  }
0x3: {  	s10 =	stileid.u32;
	s4 =	rddreg [dreg:$0x2]  }
0x4: {  	s5 =	simm.s32 $0x0;
	s28 =	simm.s32 $0x40;
	s7 =	smul.u32 $0x3200, s10  }
0x5: {  	s29 =	simm.s32 $0x6;
	s2 =	sand.u32 $0x1, s2;
	s23 =	smul.u32 $0x32000, s10  }
0x6: {  	s30 =	simm.s32 $0x2;
	s3 =	sshll.u32 s10, $0x1;
	s9 =	smul.u32 $0x1900, s2  }
0x7: {  	[smem:$0x7FF] =	sst s5;
	s3 =	sor.u32 s2, s3;
	s25 =	smul.u32 $0x19000, s2  }
0x8: {  	s31 =	simm.s32 $0x7;
	_ =	strace $0x80000047;
	s15 =	smul.u32 $0x320, s3  }
0x9: {  	s16 =	ssub.s32 $0x2, s2;
	s2 =	simm.s32 $0xA;
	s6 =	smul.u32 $0xC8000, s3  }
0xa: {  	s3 =	sadd.s32 $0x400, s1;
	s8 =	sshrl.u32 s16, $0x1;
	s26 =	sadd.s32 s23, s4  }
0xb: {  	s23 =	simm.s32 $0x7900;
	s1 =	ssub.s32 s16, s8;
	s20 =	sadd.s32 s9, s7  }
0xc: {  	s6 =	sshrl.u32 s6, $0x3;
	s0 =	sadd.s32 s0, s15;
	s5 =	sshll.u32 s20, $0x4  }
0xd: {  	s1 =	smax.u32 s1, $0x1;
	s15 =	sadd.s32 s25, s26;
	s25 =	simm.s32 $0x9900  }
0xe: {  	s26 =	simm.s32 $0x1;
	s20 =	simm.s32 $0x4;
	[dreg:$0x4] =	wrdreg s0  }
0xf: {  	s17 =	sadd.s32 s4, s6;
	s22 =	sadd.s32 s5, s4;
	[dreg:$0xa] =	wrdreg s1  }
0x10: {  	s1 =	simm.s32 $0x3;
	s4 =	simm.s32 $0x0;
	s18 =	sadd.s32 $0x16800, s17  }
0x11: {  	s19 =	sadd.s32 $0x17000, s17;
	s6 =	sadd.s32 $0x17800, s17;
	[dreg:$0x5] =	wrdreg s18  }
0x12: {  	s21 =	sadd.s32 $0x18000, s17;
	s0 =	sadd.s32 $0x18800, s17;
	[dreg:$0x6] =	wrdreg s19  }
0x13: {  	s24 =	sadd.s32 $0x2000, s22;
	s12 =	sadd.s32 $0x1800, s22;
	[dreg:$0x7] =	wrdreg s6  }
0x14: {  	s13 =	sadd.s32 $0x1000, s22;
	s14 =	sadd.s32 $0x800, s22;
	[dreg:$0x8] =	wrdreg s21  }
0x15: {  	s17 =	simm.s32 $0x80;
	s22 =	simm.s32 $0x9;
	[dreg:$0x9] =	wrdreg s0  }
0x16: {  	[dreg:$0xb] =	wrdreg s24;
	s18 =	simm.s32 $0x1900;
	s19 =	simm.s32 $0x3900  }
0x17: {  	s21 =	simm.s32 $0x5900;
	s0 =	simm.s32 $0x8;
	s24 =	simm.s32 $0x5  }
.LBB2_1:
0x18: {  	s5 =	simm.s32 $0x0;
	s6 =	rddreg [dreg:$0x4];
	s16 =	simm.s32 $0xB  }
0x19: {  	[tilespmem:s5], [sflag:$0xB] =	stream.linear.gather [hbm4b:s6+s5], $0x1900, $0x38;
	[tilespmem:$0xB900] =	vst v63  }
0x1a: {  	_ =	swait.ge [sflag:s16], $0x1900  }
0x1b: {  	[sflag:s16] =	ssyncset.done $0x0  }
0x1c: {  	[sflag:s16] =	ssyncadd.s32 $0xFFFFE700  }
0x1d: {  	[tilespmem:s18], [sflag:$0x1] =	stream.indirect.gather [hbm4b:s3+s17], $0x40, s5, s17, $0xb8;
	[tilespmem:$0xB900] =	vst v63  }
0x1e: {  	_ = 	snop  }
0x1f: {  	[tilespmem:s19], [sflag:$0x2] =	stream.indirect.gather [hbm4b:s3+s17], $0x40, s17, s17, $0xb8;
	[tilespmem:$0xB900] =	vst v63  }
0x20: {  	s6 =	simm.s32 $0x100  }
0x21: {  	[tilespmem:s21], [sflag:$0x3] =	stream.indirect.gather [hbm4b:s3+s17], $0x40, s6, s17, $0xb8;
	[tilespmem:$0xB900] =	vst v63  }
0x22: {  	s7 =	simm.s32 $0x180  }
0x23: {  	[tilespmem:s23], [sflag:$0x4] =	stream.indirect.gather [hbm4b:s3+s17], $0x40, s7, s17, $0xb8;
	[tilespmem:$0xB900] =	vst v63  }
0x24: {  	s8 =	simm.s32 $0x200  }
0x25: {  	[tilespmem:s25], [sflag:$0x5] =	stream.indirect.gather [hbm4b:s3+s17], $0x40, s8, s17, $0xb8;
	[tilespmem:$0xB900] =	vst v63  }
0x26: {  	_ =	swait.ge [sflag:s26], $0x2000  }
0x27: {  	[sflag:s26] =	ssyncset.done $0x0  }
0x28: {  	[sflag:s26] =	ssyncadd.s32 $0xFFFFE000  }
0x29: {  	[hbm4b:s15+s28] =	stream.strided.scatter [tilespmem:s18], [sflag:$0x6], $0x2000, s17, s28, $0x38;
	[tilespmem:$0xB900] =	vst v63  }
0x2a: {  	_ =	swait.ge [sflag:s29], $0x2000  }
0x2b: {  	[sflag:s29] =	ssyncset.done $0x0  }
0x2c: {  	s9 =	simm.s32 $0x280;
	[sflag:s29] =	ssyncadd.s32 $0xFFFFE000  }
0x2d: {  	[tilespmem:s18], [sflag:$0x1] =	stream.indirect.gather [hbm4b:s3+s17], $0x40, s9, s17, $0xb8;
	[tilespmem:$0xB900] =	vst v63  }
0x2e: {  	_ =	swait.ge [sflag:s30], $0x2000  }
0x2f: {  	[sflag:s30] =	ssyncset.done $0x0  }
0x30: {  	[sflag:s30] =	ssyncadd.s32 $0xFFFFE000  }
0x31: {  	[hbm4b:s14+s28] =	stream.strided.scatter [tilespmem:s19], [sflag:$0x7], $0x2000, s17, s28, $0x38;
	[tilespmem:$0xB900] =	vst v63  }
0x32: {  	_ =	swait.ge [sflag:s31], $0x2000  }
0x33: {  	[sflag:s31] =	ssyncset.done $0x0  }
0x34: {  	s10 =	simm.s32 $0x300;
	[sflag:s31] =	ssyncadd.s32 $0xFFFFE000  }
0x35: {  	[tilespmem:s19], [sflag:$0x2] =	stream.indirect.gather [hbm4b:s3+s17], $0x40, s10, s17, $0xb8;
	[tilespmem:$0xB900] =	vst v63  }
0x36: {  	_ =	swait.ge [sflag:s1], $0x2000  }
0x37: {  	[sflag:s1] =	ssyncset.done $0x0  }
0x38: {  	[sflag:s1] =	ssyncadd.s32 $0xFFFFE000  }
0x39: {  	[hbm4b:s13+s28] =	stream.strided.scatter [tilespmem:s21], [sflag:$0x8], $0x2000, s17, s28, $0x38;
	[tilespmem:$0xB900] =	vst v63  }
0x3a: {  	_ =	swait.ge [sflag:s0], $0x2000  }
0x3b: {  	[sflag:s0] =	ssyncset.done $0x0  }
0x3c: {  	s11 =	simm.s32 $0x380;
	[sflag:s0] =	ssyncadd.s32 $0xFFFFE000  }
0x3d: {  	[tilespmem:s21], [sflag:$0x3] =	stream.indirect.gather [hbm4b:s3+s17], $0x40, s11, s17, $0xb8;
	[tilespmem:$0xB900] =	vst v63  }
0x3e: {  	_ =	swait.ge [sflag:s20], $0x2000  }
0x3f: {  	[sflag:s20] =	ssyncset.done $0x0  }
0x40: {  	[sflag:s20] =	ssyncadd.s32 $0xFFFFE000  }
0x41: {  	[hbm4b:s12+s28] =	stream.strided.scatter [tilespmem:s23], [sflag:$0x9], $0x2000, s17, s28, $0x38;
	[tilespmem:$0xB900] =	vst v63  }
0x42: {  	_ =	swait.ge [sflag:s22], $0x2000  }
0x43: {  	[sflag:s22] =	ssyncset.done $0x0  }
0x44: {  	s16 =	simm.s32 $0x400;
	[sflag:s22] =	ssyncadd.s32 $0xFFFFE000  }
0x45: {  	[tilespmem:s23], [sflag:$0x4] =	stream.indirect.gather [hbm4b:s3+s17], $0x40, s16, s17, $0xb8;
	[tilespmem:$0xB900] =	vst v63  }
0x46: {  	_ =	swait.ge [sflag:s24], $0x2000  }
0x47: {  	[sflag:s24] =	ssyncset.done $0x0  }
0x48: {  	s5 =	simm.s32 $0xA00;
	s10 =	rddreg [dreg:$0xb];
	[sflag:s24] =	ssyncadd.s32 $0xFFFFE000  }
0x49: {  	[hbm4b:s10+s28] =	stream.strided.scatter [tilespmem:s25], [sflag:$0xA], $0x2000, s17, s28, $0x38;
	[tilespmem:$0xB900] =	vst v63  }
0x4a: {  	s6 =	sadd.s32 $0x2800, s14;
	s7 =	sadd.s32 $0x2800, s15;
	_ =	swait.ge [sflag:s2], $0x2000  }
0x4b: {  	s8 =	sadd.s32 $0x2800, s12;
	s9 =	sadd.s32 $0x2800, s13;
	[sflag:s2] =	ssyncset.done $0x0  }
0x4c: {  	s16 =	simm.s32 $0x480;
	s10 =	sadd.s32 $0x2800, s10;
	[sflag:s2] =	ssyncadd.s32 $0xFFFFE000  }
.LBB2_2:
0x4d: {  	[tilespmem:s25], [sflag:$0x5] =	stream.indirect.gather [hbm4b:s3+s17], $0x40, s16, s17, $0xb8;
	[tilespmem:$0xB900] =	vst v63  }
0x4e: {  	s16 =	smov.u32 s5  }
0x4f: {  	p0 =	sne.s32 s5, $0x5000;
	s5 =	sadd.s32 $0xA00, s5;
	_ =	swait.ge [sflag:s26], $0x2000  }
0x50: {  	[sflag:s26] =	ssyncset.done $0x0  }
0x51: {  	[sflag:s26] =	ssyncadd.s32 $0xFFFFE000  }
0x52: {  	[hbm4b:s7+s28] =	stream.strided.scatter [tilespmem:s18], [sflag:$0x6], $0x2000, s17, s28, $0x38;
	[tilespmem:$0xB900] =	vst v63  }
0x53: {  	_ =	swait.ge [sflag:s29], $0x2000  }
0x54: {  	s16 =	sshra.s32 s16, $0x2;
	[sflag:s29] =	ssyncset.done $0x0  }
0x55: {  	s11 =	sadd.s32 $0x280, s16;
	[sflag:s29] =	ssyncadd.s32 $0xFFFFE000  }
0x56: {  	[tilespmem:s18], [sflag:$0x1] =	stream.indirect.gather [hbm4b:s3+s17], $0x40, s11, s17, $0xb8;
	[tilespmem:$0xB900] =	vst v63  }
0x57: {  	_ =	swait.ge [sflag:s30], $0x2000  }
0x58: {  	[sflag:s30] =	ssyncset.done $0x0  }
0x59: {  	[sflag:s30] =	ssyncadd.s32 $0xFFFFE000  }
0x5a: {  	[hbm4b:s6+s28] =	stream.strided.scatter [tilespmem:s19], [sflag:$0x7], $0x2000, s17, s28, $0x38;
	[tilespmem:$0xB900] =	vst v63  }
0x5b: {  	_ =	swait.ge [sflag:s31], $0x2000  }
0x5c: {  	[sflag:s31] =	ssyncset.done $0x0  }
0x5d: {  	s11 =	sadd.s32 $0x300, s16;
	[sflag:s31] =	ssyncadd.s32 $0xFFFFE000  }
0x5e: {  	[tilespmem:s19], [sflag:$0x2] =	stream.indirect.gather [hbm4b:s3+s17], $0x40, s11, s17, $0xb8;
	[tilespmem:$0xB900] =	vst v63  }
0x5f: {  	_ =	swait.ge [sflag:s1], $0x2000  }
0x60: {  	[sflag:s1] =	ssyncset.done $0x0  }
0x61: {  	[sflag:s1] =	ssyncadd.s32 $0xFFFFE000  }
0x62: {  	[hbm4b:s9+s28] =	stream.strided.scatter [tilespmem:s21], [sflag:$0x8], $0x2000, s17, s28, $0x38;
	[tilespmem:$0xB900] =	vst v63  }
0x63: {  	_ =	swait.ge [sflag:s0], $0x2000  }
0x64: {  	[sflag:s0] =	ssyncset.done $0x0  }
0x65: {  	s11 =	sadd.s32 $0x380, s16;
	[sflag:s0] =	ssyncadd.s32 $0xFFFFE000  }
0x66: {  	[tilespmem:s21], [sflag:$0x3] =	stream.indirect.gather [hbm4b:s3+s17], $0x40, s11, s17, $0xb8;
	[tilespmem:$0xB900] =	vst v63  }
0x67: {  	_ =	swait.ge [sflag:s20], $0x2000  }
0x68: {  	[sflag:s20] =	ssyncset.done $0x0  }
0x69: {  	[sflag:s20] =	ssyncadd.s32 $0xFFFFE000  }
0x6a: {  	[hbm4b:s8+s28] =	stream.strided.scatter [tilespmem:s23], [sflag:$0x9], $0x2000, s17, s28, $0x38;
	[tilespmem:$0xB900] =	vst v63  }
0x6b: {  	_ =	swait.ge [sflag:s22], $0x2000  }
0x6c: {  	[sflag:s22] =	ssyncset.done $0x0  }
0x6d: {  	s11 =	sadd.s32 $0x400, s16;
	[sflag:s22] =	ssyncadd.s32 $0xFFFFE000  }
0x6e: {  	[tilespmem:s23], [sflag:$0x4] =	stream.indirect.gather [hbm4b:s3+s17], $0x40, s11, s17, $0xb8;
	[tilespmem:$0xB900] =	vst v63  }
0x6f: {  	_ =	swait.ge [sflag:s24], $0x2000  }
0x70: {  	[sflag:s24] =	ssyncset.done $0x0  }
.Ltmp0:
0x71: {  	[sflag:s24] =	ssyncadd.s32 $0xFFFFE000;
	(pc) =	sbr.rel @p0 .LBB2_2-.Ltmp0, $4  }
0x72: {  	[hbm4b:s10+s28] =	stream.strided.scatter [tilespmem:s25], [sflag:$0xA], $0x2000, s17, s28, $0x38;
	[tilespmem:$0xB900] =	vst v63  }
0x73: {  	s7 =	sadd.s32 $0x2800, s7;
	s6 =	sadd.s32 $0x2800, s6;
	_ =	swait.ge [sflag:s2], $0x2000  }
0x74: {  	s9 =	sadd.s32 $0x2800, s9;
	s8 =	sadd.s32 $0x2800, s8;
	[sflag:s2] =	ssyncset.done $0x0  }
0x75: {  	s16 =	sadd.s32 $0x480, s16;
	s10 =	sadd.s32 $0x2800, s10;
	[sflag:s2] =	ssyncadd.s32 $0xFFFFE000  }
0x76: {  	[tilespmem:s25], [sflag:$0x5] =	stream.indirect.gather [hbm4b:s3+s17], $0x40, s16, s17, $0xb8;
	[tilespmem:$0xB900] =	vst v63  }
0x77: {  	_ =	swait.ge [sflag:s26], $0x2000  }
0x78: {  	[sflag:s26] =	ssyncset.done $0x0  }
0x79: {  	s5 =	rddreg [dreg:$0x5];
	[sflag:s26] =	ssyncadd.s32 $0xFFFFE000  }
0x7a: {  	[hbm4b:s5+s28] =	stream.strided.scatter [tilespmem:s18], [sflag:$0x6], $0x2000, s17, s28, $0x38;
	[tilespmem:$0xB900] =	vst v63  }
0x7b: {  	_ =	swait.ge [sflag:s30], $0x2000  }
0x7c: {  	[sflag:s30] =	ssyncset.done $0x0  }
0x7d: {  	s8 =	rddreg [dreg:$0x6];
	[sflag:s30] =	ssyncadd.s32 $0xFFFFE000  }
0x7e: {  	[hbm4b:s8+s28] =	stream.strided.scatter [tilespmem:s19], [sflag:$0x7], $0x2000, s17, s28, $0x38;
	[tilespmem:$0xB900] =	vst v63  }
0x7f: {  	_ =	swait.ge [sflag:s1], $0x2000  }
0x80: {  	[sflag:s1] =	ssyncset.done $0x0  }
0x81: {  	s9 =	rddreg [dreg:$0x7];
	[sflag:s1] =	ssyncadd.s32 $0xFFFFE000  }
0x82: {  	[hbm4b:s9+s28] =	stream.strided.scatter [tilespmem:s21], [sflag:$0x8], $0x2000, s17, s28, $0x38;
	[tilespmem:$0xB900] =	vst v63  }
0x83: {  	_ =	swait.ge [sflag:s20], $0x2000  }
0x84: {  	[sflag:s20] =	ssyncset.done $0x0  }
0x85: {  	s10 =	rddreg [dreg:$0x8];
	[sflag:s20] =	ssyncadd.s32 $0xFFFFE000  }
0x86: {  	[hbm4b:s10+s28] =	stream.strided.scatter [tilespmem:s23], [sflag:$0x9], $0x2000, s17, s28, $0x38;
	[tilespmem:$0xB900] =	vst v63  }
0x87: {  	_ =	swait.ge [sflag:s24], $0x2000  }
0x88: {  	[sflag:s24] =	ssyncset.done $0x0  }
0x89: {  	s11 =	rddreg [dreg:$0x9];
	[sflag:s24] =	ssyncadd.s32 $0xFFFFE000  }
0x8a: {  	[hbm4b:s11+s28] =	stream.strided.scatter [tilespmem:s25], [sflag:$0xA], $0x2000, s17, s28, $0x38;
	[tilespmem:$0xB900] =	vst v63  }
0x8b: {  	_ =	swait.ge [sflag:s29], $0x2000  }
0x8c: {  	[sflag:s29] =	ssyncset.done $0x0  }
0x8d: {  	[sflag:s29] =	ssyncadd.s32 $0xFFFFE000  }
0x8e: {  	_ =	swait.ge [sflag:s31], $0x2000  }
0x8f: {  	[sflag:s31] =	ssyncset.done $0x0  }
0x90: {  	[sflag:s31] =	ssyncadd.s32 $0xFFFFE000  }
0x91: {  	_ =	swait.ge [sflag:s0], $0x2000  }
0x92: {  	[sflag:s0] =	ssyncset.done $0x0  }
0x93: {  	[sflag:s0] =	ssyncadd.s32 $0xFFFFE000  }
0x94: {  	_ =	swait.ge [sflag:s22], $0x2000  }
0x95: {  	[sflag:s22] =	ssyncset.done $0x0  }
0x96: {  	[sflag:s22] =	ssyncadd.s32 $0xFFFFE000  }
0x97: {  	_ =	swait.ge [sflag:s2], $0x2000  }
0x98: {  	s4 =	sadd.s32 $0x1, s4;
	s16 =	rddreg [dreg:$0xa]  }
0x99: {  	p0 =	sne.s32 s4, s16  }
.Ltmp1:
0x9a: {  	_ = 	snop;
	(pc) =	sbr.rel @p0 .LBB2_1-.Ltmp1, $3  }
0x9b: {  	_ =	sdelay $0x1  }
0x9c: {  	[sflag:s2] =	ssyncset.done $0x0  }
0x9d: {  	[sflag:s2] =	ssyncadd.s32 $0xFFFFE000  }
0x9e: {  	_ =	sfence.sel $0x180000  }
0x9f: {  	[bflag:$0x0] =	sbarrier.arrive $0xFFFF  }
0xa0: {  	_ =	strace $0x90000047  }
0xa1: {  	s0 =	stileid.u32;
	[bflag:$0x2] =	sbarrier.arrive $0xFFFF  }
0xa2: {  	p0 =	sne.s32 s0, $0x0;
	s0 =	rddreg [dreg:$0x3]  }
0xa3: {  	s0 =	sadd.s32 @!p0 $0x100000, s0  }
0xa4: {  	[sflag:s0] =	ssyncadd.tile.s32 @!p0 $0x1;
	_ =	shalt  }
.Lfunc_end2:
_tile_overlayer_lowered:
.L_overlay_start_2:
0xa5: {  	(tag) =	ssettag $0x2  }
0xa6: {  	s0 =	rddreg [dreg:$0x0];
	s2 =	stileid.u32  }
0xa7: {  	s1 =	rddreg [dreg:$0x1];
	p0 =	sne.s32 s2, $0x0  }
0xa8: {  	s3 =	rddreg [dreg:$0x2];
	[bflag:$0x3] =	sbarrier.arrive $0xFFFF;
	s2 =	simm.s32 @!p0 $0x1C0B  }
0xa9: {  	[timem:s3], [sflag:s2] =	dma.local @!p0 [hbm:s0], s1  }
0xaa: {  	s0 =	simm.s32 @!p0 $0xB  }
0xab: {  	_ =	swait.ge @!p0 [sflag:s0], s1  }
0xac: {  	s1 =	ssub.s32 @!p0 $0x0, s1;
	[sflag:s0] =	ssyncset.done @!p0 $0x0  }
0xad: {  	[sflag:s0] =	ssyncadd.s32 @!p0 s1  }
0xae: {  	[bflag:$0x3] =	sbarrier.arrive $0xFFFF  }
0xaf: {  	_ =	shalt  }

</sc_bundles>
